<compile_context>
chip_gen: v7x
topology: tpu7x:2x2x1
jax: 0.10.2.dev20260603
libtpu: 0.0.44.dev20260713+nightly
codegen_flags: <defaults>
</compile_context>

<pallas_src>
import functools
import jax
import jax.numpy as jnp
from jax import lax
from jax.experimental import pallas as pl
from jax.experimental.pallas import tpu as pltpu
from jax.experimental.pallas import tpu_sc as plsc

NC = 2
NS = 16
NW = NC * NS
L = 16

_BL = 400


def _cdiv(a, b):
    return -(-a // b)


def _mesh():
    return plsc.VectorSubcoreMesh(core_axis_name="c", subcore_axis_name="s",
                                  num_cores=NC, num_subcores=NS)


def _pad_edges(E):
    blk = min(4096, _cdiv(E, NW * L) * L)
    nb = _cdiv(E, NW * blk)
    return blk, NW * blk * nb


def _pad1(x, n, val):
    if x.shape[0] == n:
        return x
    return jnp.concatenate(
        [x, jnp.full((n - x.shape[0],), val, x.dtype)])



@functools.partial(jax.jit, static_argnums=(2, 3, 4))
def _hist_call(idx_p, val_p, n_out, blk, weighted):
    E_pad = idx_p.shape[0]
    ap = _cdiv(n_out + 1, 128) * 128
    nb = E_pad // (NW * blk)
    share = E_pad // NW

    def body(idx_hbm, val_hbm, out_hbm, accum, idx_s, val_s, sem):
        cid = lax.axis_index("c")
        sid = lax.axis_index("s")
        wid = cid * NS + sid

        def zbody(z, _):
            accum[pl.ds(z * L, L)] = jnp.zeros((L,), jnp.float32)
            return 0
        lax.fori_loop(0, ap // L, zbody, 0)

        for bi in range(nb):
            est = wid * share + bi * blk
            pltpu.sync_copy(idx_hbm.at[pl.ds(est, blk)], idx_s)
            if weighted:
                pltpu.sync_copy(val_hbm.at[pl.ds(est, blk)], val_s)

            def gbody(g, _):
                i16 = idx_s[pl.ds(g * L, L)]
                if weighted:
                    v16 = val_s[pl.ds(g * L, L)]
                else:
                    v16 = jnp.ones((L,), jnp.float32)
                plsc.addupdate_scatter(accum, [i16], v16)
                return 0
            lax.fori_loop(0, blk // L, gbody, 0)

        pltpu.sync_copy(accum, out_hbm.at[wid])

    scratch = [
        pltpu.VMEM((ap,), jnp.float32),
        pltpu.VMEM((blk,), jnp.int32),
        pltpu.VMEM((blk,), jnp.float32),
        pltpu.SemaphoreType.DMA,
    ]
    fn = pl.kernel(
        body,
        out_type=jax.ShapeDtypeStruct((NW, ap), jnp.float32),
        mesh=_mesh(),
        scratch_types=scratch,
        compiler_params=pltpu.CompilerParams(needs_layout_passes=False),
    )
    return fn(idx_p, val_p)[:, :n_out]



@functools.partial(jax.jit, static_argnums=(4, 5, 6))
def _rowscatter_call(x, src_p, dst_p, w_p, n_out, blk, weighted):
    E_pad = src_p.shape[0]
    D = x.shape[1]
    G = 160
    ZC = 80
    r_max = 10000
    npass = _cdiv(n_out, 2 * r_max)
    nr = 2 * npass
    R = _cdiv(n_out, nr)
    zpt = _cdiv(R + 8, NS * ZC) * ZC
    PR = NS * zpt
    trash = R
    nb = E_pad // (NS * blk)
    share = E_pad // NS

    def body(x_hbm, src_hbm, dst_hbm, w_hbm, out_hbm,
             idx_s, dst_s, w_s, srcc, dstc, wc, srcg, dstg, rows_v,
             sem, shared):
        cid = lax.axis_index("c")
        sid = lax.axis_index("s")

        for p in range(npass):
            rid = 2 * p + cid
            lo = rid * R
            hi = lo + R

            def zr(r, _):
                for k in range(D // L):
                    rows_v[r, pl.ds(k * L, L)] = jnp.zeros((L,), jnp.float32)
                return 0
            lax.fori_loop(0, ZC, zr, 0)
            for z in range(zpt // ZC):
                pltpu.sync_copy(rows_v.at[pl.ds(0, ZC)],
                                shared.at[pl.ds(sid * zpt + z * ZC, ZC)])
            plsc.subcore_barrier()

            def tbody(j, _):
                for k in range(G // L):
                    srcg[pl.ds(k * L, L)] = srcc[pl.ds(j * G + k * L, L)]
                    dstg[pl.ds(k * L, L)] = dstc[pl.ds(j * G + k * L, L)]
                pltpu.async_copy(x_hbm.at[srcg], rows_v, sem).wait()
                if weighted:
                    def wbody(r, _):
                        wv = wc[pl.ds(j * G + r, L)][0]
                        for k in range(D // L):
                            rows_v[r, pl.ds(k * L, L)] = (
                                rows_v[r, pl.ds(k * L, L)] * wv)
                        return 0
                    lax.fori_loop(0, G, wbody, 0, unroll=2)
                pltpu.sync_copy(rows_v, shared.at[dstg], add=True)
                return 0

            def block_body(bi, cur0):
                est = sid * share + bi * blk
                pltpu.sync_copy(src_hbm.at[pl.ds(est, blk)], idx_s)
                pltpu.sync_copy(dst_hbm.at[pl.ds(est, blk)], dst_s)
                if weighted:
                    pltpu.sync_copy(w_hbm.at[pl.ds(est, blk)], w_s)

                def cbody(g, cur):
                    off = g * L
                    d16 = dst_s[pl.ds(off, L)]
                    s16 = idx_s[pl.ds(off, L)]
                    m = (d16 >= lo) & (d16 < hi)
                    plsc.store_compressed(srcc.at[pl.ds(cur, L)], s16, mask=m)
                    plsc.store_compressed(dstc.at[pl.ds(cur, L)], d16 - lo,
                                          mask=m)
                    if weighted:
                        w16 = w_s[pl.ds(off, L)]
                        plsc.store_compressed(wc.at[pl.ds(cur, L)], w16,
                                              mask=m)
                    return cur + jnp.sum(m.astype(jnp.int32))
                cursor = lax.fori_loop(0, blk // L, cbody, cur0, unroll=4)

                trips = cursor // G
                lax.fori_loop(0, trips, tbody, 0)
                for k in range(G // L):
                    srcc[pl.ds(k * L, L)] = srcc[pl.ds(trips * G + k * L, L)]
                    dstc[pl.ds(k * L, L)] = dstc[pl.ds(trips * G + k * L, L)]
                    if weighted:
                        wc[pl.ds(k * L, L)] = wc[pl.ds(trips * G + k * L, L)]
                return cursor - trips * G
            rem = lax.fori_loop(0, nb, block_body, jnp.int32(0))

            for k in range(G // L):
                srcc[pl.ds(rem + k * L, L)] = jnp.zeros((L,), jnp.int32)
                dstc[pl.ds(rem + k * L, L)] = jnp.full((L,), trash, jnp.int32)
            lax.fori_loop(0, (rem + G - 1) // G, tbody, 0)

            plsc.subcore_barrier()
            for z in range(zpt // ZC):
                roff = sid * zpt + z * ZC
                pltpu.sync_copy(shared.at[pl.ds(roff, ZC)],
                                rows_v.at[pl.ds(0, ZC)])
                pltpu.sync_copy(rows_v.at[pl.ds(0, ZC)],
                                out_hbm.at[pl.ds(rid * PR + roff, ZC)])
            plsc.subcore_barrier()

    scratch = [
        pltpu.VMEM((blk,), jnp.int32),
        pltpu.VMEM((blk,), jnp.int32),
        pltpu.VMEM((blk,), jnp.float32),
        pltpu.VMEM((blk + 2 * G,), jnp.int32),
        pltpu.VMEM((blk + 2 * G,), jnp.int32),
        pltpu.VMEM((blk + 2 * G + L,), jnp.float32),
        pltpu.VMEM((G,), jnp.int32),
        pltpu.VMEM((G,), jnp.int32),
        pltpu.VMEM((G, D), jnp.float32),
        pltpu.SemaphoreType.DMA,
        pltpu.VMEM_SHARED((PR, D), jnp.float32),
    ]
    fn = pl.kernel(
        body,
        out_type=jax.ShapeDtypeStruct((nr * PR, D), jnp.float32),
        mesh=_mesh(),
        scratch_types=scratch,
        compiler_params=pltpu.CompilerParams(needs_layout_passes=False),
    )
    out_pad = fn(x, src_p, dst_p, w_p)
    return out_pad.reshape(nr, PR, D)[:, :R].reshape(nr * R, D)[:n_out]



def _edge_map_call(tab, idx_p, aux_p, blk, fmap):
    E_pad = idx_p.shape[0]
    n_tab = tab.shape[0]
    ap = _cdiv(n_tab + 1, 128) * 128
    tab = _pad1(tab, ap, 0.0)
    nb = E_pad // (NW * blk)
    share = E_pad // NW

    def body(tab_hbm, idx_hbm, aux_hbm, out_hbm, tab_v, idx_s, aux_s, out_s,
             sem):
        cid = lax.axis_index("c")
        sid = lax.axis_index("s")
        wid = cid * NS + sid
        pltpu.sync_copy(tab_hbm, tab_v)
        for bi in range(nb):
            est = wid * share + bi * blk
            pltpu.sync_copy(idx_hbm.at[pl.ds(est, blk)], idx_s)
            if aux_p is not None:
                pltpu.sync_copy(aux_hbm.at[pl.ds(est, blk)], aux_s)

            def gbody(g, _):
                i16 = idx_s[pl.ds(g * L, L)]
                t16 = plsc.load_gather(tab_v, [i16])
                if aux_p is not None:
                    a16 = aux_s[pl.ds(g * L, L)]
                else:
                    a16 = None
                out_s[pl.ds(g * L, L)] = fmap(t16, a16)
                return 0
            lax.fori_loop(0, blk // L, gbody, 0)
            pltpu.sync_copy(out_s, out_hbm.at[pl.ds(est, blk)])

    scratch = [
        pltpu.VMEM((ap,), jnp.float32),
        pltpu.VMEM((blk,), jnp.int32),
        pltpu.VMEM((blk,), jnp.float32),
        pltpu.VMEM((blk,), jnp.float32),
        pltpu.SemaphoreType.DMA,
    ]
    fn = pl.kernel(
        body,
        out_type=jax.ShapeDtypeStruct((E_pad,), jnp.float32),
        mesh=_mesh(),
        scratch_types=scratch,
        compiler_params=pltpu.CompilerParams(needs_layout_passes=False),
    )
    if aux_p is None:
        aux_p = jnp.zeros((E_pad,), jnp.float32)
    return fn(tab, idx_p, aux_p)



def _norm_from_deg(d):
    return jnp.where(d > 0, lax.rsqrt(jnp.maximum(d, 1e-9)), 0.0)


def _tc1(h_game, dpo, dpi, W0):
    n = h_game.shape[0]
    D = h_game.shape[1]
    nbk = n // _BL

    def fn(h_ref, dpo_ref, dpi_ref, w_ref, y_ref, ns_ref, nd_ref):
        dout = jnp.sum(dpo_ref[...], axis=0)
        din = jnp.sum(dpi_ref[...], axis=0)
        ns = _norm_from_deg(dout)
        nd = _norm_from_deg(din)
        ns_ref[...] = ns.reshape(1, 1, _BL)
        nd_ref[...] = nd.reshape(1, 1, _BL)
        y_ref[...] = jnp.dot(h_ref[...] * ns.reshape(_BL, 1), w_ref[...],
                             preferred_element_type=jnp.float32)

    grid = (nbk,)
    return pl.pallas_call(
        fn,
        grid=grid,
        in_specs=[
            pl.BlockSpec((_BL, D), lambda i: (i, 0)),
            pl.BlockSpec((NW, 1, 1, _BL), lambda i: (0, i, 0, 0)),
            pl.BlockSpec((NW, 1, 1, _BL), lambda i: (0, i, 0, 0)),
            pl.BlockSpec((D, D), lambda i: (0, 0)),
        ],
        out_specs=[
            pl.BlockSpec((_BL, D), lambda i: (i, 0)),
            pl.BlockSpec((1, 1, _BL), lambda i: (i, 0, 0)),
            pl.BlockSpec((1, 1, _BL), lambda i: (i, 0, 0)),
        ],
        out_shape=[
            jax.ShapeDtypeStruct((n, D), jnp.float32),
            jax.ShapeDtypeStruct((nbk, 1, _BL), jnp.float32),
            jax.ShapeDtypeStruct((nbk, 1, _BL), jnp.float32),
        ],
    )(h_game, dpo.reshape(NW, nbk, 1, _BL), dpi.reshape(NW, nbk, 1, _BL), W0)


def _tc3(agg1, ns3, nd3, W1):
    n, D = agg1.shape
    nbk = n // _BL

    def fn(a_ref, ns_ref, nd_ref, w_ref, y_ref):
        ns = ns_ref[...].reshape(_BL, 1)
        nd = nd_ref[...].reshape(_BL, 1)
        y_ref[...] = jnp.dot(a_ref[...] * (nd * ns), w_ref[...],
                             preferred_element_type=jnp.float32)

    return pl.pallas_call(
        fn,
        grid=(nbk,),
        in_specs=[
            pl.BlockSpec((_BL, D), lambda i: (i, 0)),
            pl.BlockSpec((1, 1, _BL), lambda i: (i, 0, 0)),
            pl.BlockSpec((1, 1, _BL), lambda i: (i, 0, 0)),
            pl.BlockSpec((D, D), lambda i: (0, 0)),
        ],
        out_specs=pl.BlockSpec((_BL, D), lambda i: (i, 0)),
        out_shape=jax.ShapeDtypeStruct((n, D), jnp.float32),
    )(agg1, ns3, nd3, W1)


def _tc5(agg2, nd3):
    n, D = agg2.shape
    nbk = n // _BL

    def fn(a_ref, nd_ref, y_ref):
        y_ref[...] = a_ref[...] * nd_ref[...].reshape(_BL, 1)

    return pl.pallas_call(
        fn,
        grid=(nbk,),
        in_specs=[
            pl.BlockSpec((_BL, D), lambda i: (i, 0)),
            pl.BlockSpec((1, 1, _BL), lambda i: (i, 0, 0)),
        ],
        out_specs=pl.BlockSpec((_BL, D), lambda i: (i, 0)),
        out_shape=jax.ShapeDtypeStruct((n, D), jnp.float32),
    )(agg2, nd3)


def _tc7(ue, sgu, cgu, cso, Wsi, Wni, bi, Wg, al, ar):
    n, D = ue.shape
    nbk = n // _BL

    def fn(ue_ref, sgu_ref, cgu_ref, cso_ref, wsi_ref, wni_ref, bi_ref,
           wg_ref, al_ref, ar_ref, hua_ref, el_ref, er_ref, ivs_ref):
        cg = jnp.sum(cgu_ref[...], axis=0)
        cs = jnp.sum(cso_ref[...], axis=0)
        ivg = 1.0 / jnp.maximum(cg, 1.0)
        ivs = 1.0 / jnp.maximum(cs, 1.0)
        ivs_ref[...] = ivs.reshape(1, 1, _BL)
        hua = (jnp.dot(ue_ref[...], wsi_ref[...],
                       preferred_element_type=jnp.float32)
               + jnp.dot(sgu_ref[...], wni_ref[...],
                         preferred_element_type=jnp.float32)
               * ivg.reshape(_BL, 1)
               + bi_ref[...])
        hua_ref[...] = hua
        feat = jnp.dot(hua, wg_ref[...], preferred_element_type=jnp.float32)
        el = jnp.sum(feat * al_ref[...], axis=1)
        er = jnp.sum(feat * ar_ref[...], axis=1)
        el_ref[...] = el.reshape(1, 1, _BL)
        er_ref[...] = er.reshape(1, 1, _BL)

    return pl.pallas_call(
        fn,
        grid=(nbk,),
        in_specs=[
            pl.BlockSpec((_BL, D), lambda i: (i, 0)),
            pl.BlockSpec((_BL, D), lambda i: (i, 0)),
            pl.BlockSpec((NW, 1, 1, _BL), lambda i: (0, i, 0, 0)),
            pl.BlockSpec((NW, 1, 1, _BL), lambda i: (0, i, 0, 0)),
            pl.BlockSpec((D, D), lambda i: (0, 0)),
            pl.BlockSpec((D, D), lambda i: (0, 0)),
            pl.BlockSpec((1, D), lambda i: (0, 0)),
            pl.BlockSpec((D, D), lambda i: (0, 0)),
            pl.BlockSpec((1, D), lambda i: (0, 0)),
            pl.BlockSpec((1, D), lambda i: (0, 0)),
        ],
        out_specs=[
            pl.BlockSpec((_BL, D), lambda i: (i, 0)),
            pl.BlockSpec((1, 1, _BL), lambda i: (i, 0, 0)),
            pl.BlockSpec((1, 1, _BL), lambda i: (i, 0, 0)),
            pl.BlockSpec((1, 1, _BL), lambda i: (i, 0, 0)),
        ],
        out_shape=[
            jax.ShapeDtypeStruct((n, D), jnp.float32),
            jax.ShapeDtypeStruct((nbk, 1, _BL), jnp.float32),
            jax.ShapeDtypeStruct((nbk, 1, _BL), jnp.float32),
            jax.ShapeDtypeStruct((nbk, 1, _BL), jnp.float32),
        ],
    )(ue, sgu, cgu.reshape(NW, nbk, 1, _BL), cso.reshape(NW, nbk, 1, _BL),
      Wsi, Wni, bi.reshape(1, D), Wg, al.reshape(1, D), ar.reshape(1, D))


def _tc11(esp):
    nw, n = esp.shape
    nbk = n // _BL

    def fn(p_ref, o_ref):
        o_ref[...] = jnp.sum(p_ref[...], axis=0).reshape(1, 1, _BL)

    return pl.pallas_call(
        fn,
        grid=(nbk,),
        in_specs=[pl.BlockSpec((NW, 1, 1, _BL), lambda i: (0, i, 0, 0))],
        out_specs=pl.BlockSpec((1, 1, _BL), lambda i: (i, 0, 0)),
        out_shape=jax.ShapeDtypeStruct((nbk, 1, _BL), jnp.float32),
    )(esp.reshape(NW, nbk, 1, _BL))


def _tc14(ue, hua, ssoc, ivs3, Wss, Wns, bs, wu, wa, ws):
    n, D = ue.shape
    nbk = n // _BL

    def fn(ue_ref, hua_ref, ss_ref, ivs_ref, wss_ref, wns_ref, bs_ref, o_ref):
        ivs = ivs_ref[...].reshape(_BL, 1)
        hus = (jnp.dot(ue_ref[...], wss_ref[...],
                       preferred_element_type=jnp.float32)
               + jnp.dot(ss_ref[...], wns_ref[...],
                         preferred_element_type=jnp.float32) * ivs
               + bs_ref[...])
        o_ref[...] = wu * ue_ref[...] + wa * hua_ref[...] + ws * hus

    return pl.pallas_call(
        fn,
        grid=(nbk,),
        in_specs=[
            pl.BlockSpec((_BL, D), lambda i: (i, 0)),
            pl.BlockSpec((_BL, D), lambda i: (i, 0)),
            pl.BlockSpec((_BL, D), lambda i: (i, 0)),
            pl.BlockSpec((1, 1, _BL), lambda i: (i, 0, 0)),
            pl.BlockSpec((D, D), lambda i: (0, 0)),
            pl.BlockSpec((D, D), lambda i: (0, 0)),
            pl.BlockSpec((1, D), lambda i: (0, 0)),
        ],
        out_specs=pl.BlockSpec((_BL, D), lambda i: (i, 0)),
        out_shape=jax.ShapeDtypeStruct((n, D), jnp.float32),
    )(ue, hua, ssoc, ivs3, Wss, Wns, bs.reshape(1, D))



def kernel(h_game, gu_weight, user_embedding, item_embedding, W_gc0, W_gc1,
           W_self_i, W_neigh_i, b_i, W_gat, attn_l, attn_r, W_self_s,
           W_neigh_s, b_s, item_edge_index, gu_src, gu_dst,
           social_edge_index):
    ni = h_game.shape[0]
    nu = user_embedding.shape[0]
    ei = item_edge_index.shape[1]
    eg = gu_src.shape[0]
    es = social_edge_index.shape[1]

    iblk, ei_pad = _pad_edges(ei)
    gblk, eg_pad = _pad_edges(eg)
    sblk, es_pad = _pad_edges(es)

    isrc = _pad1(item_edge_index[0], ei_pad, 0)
    idst = _pad1(item_edge_index[1], ei_pad, ni)
    gus = _pad1(gu_src, eg_pad, 0)
    gud = _pad1(gu_dst, eg_pad, nu)
    guw = _pad1(gu_weight, eg_pad, 0.0)
    ssrc = _pad1(social_edge_index[0], es_pad, 0)
    sdst = _pad1(social_edge_index[1], es_pad, nu)

    zi = jnp.zeros((ei_pad,), jnp.float32)
    zg = jnp.zeros((eg_pad,), jnp.float32)
    zs = jnp.zeros((es_pad,), jnp.float32)

    dpo = _hist_call(isrc, zi, ni, iblk, False)
    dpi = _hist_call(idst, zi, ni, iblk, False)
    cgu = _hist_call(gud, zg, nu, gblk, False)
    cso = _hist_call(sdst, zs, nu, sblk, False)

    y0, ns3, nd3 = _tc1(h_game, dpo, dpi, W_gc0)
    agg1 = _rowscatter_call(y0, isrc, idst, zi, ni, iblk, False)
    y1 = _tc3(agg1, ns3, nd3, W_gc1)
    agg2 = _rowscatter_call(y1, isrc, idst, zi, ni, iblk, False)
    h2 = _tc5(agg2, nd3)

    sgu = _rowscatter_call(h2, gus, gud, guw, nu, gblk, True)
    hua, el3, er3, ivs3 = _tc7(user_embedding, sgu, cgu, cso, W_self_i,
                               W_neigh_i, b_i, W_gat, attn_l, attn_r)

    el = el3.reshape(nu)
    er = er3.reshape(nu)
    tmp = _edge_map_call(el, ssrc, None, sblk, lambda t, a: t)

    def _exp_leaky(t, a):
        e = a + t
        e = jnp.where(e >= 0, e, 0.2 * e)
        return jnp.exp(e)
    ex = _edge_map_call(er, sdst, tmp, sblk, _exp_leaky)
    esp = _hist_call(sdst, ex, nu, sblk, True)
    esum3 = _tc11(esp)
    alpha = _edge_map_call(esum3.reshape(nu), sdst, ex, sblk,
                           lambda t, a: a / (t + 1e-9))

    ssoc = _rowscatter_call(user_embedding, ssrc, sdst, alpha, nu, sblk, True)

    wu = 1.0 - 0.1 - 0.2
    user_out = _tc14(user_embedding, hua, ssoc, ivs3, W_self_s, W_neigh_s,
                     b_s, wu, 0.2, 0.1)
    return user_out, item_embedding

# --- scband reference (transcript-rebuilt; emitter-appended) ---
"""Pipeline reference for scband-proposed-model-6820408066255 (READ-ONLY COPY).

The authoritative reference and input builder live on the scoring server;
editing this copy changes nothing except your own understanding.
"""

import jax, jax.numpy as jnp
import numpy as np

N_USER = 100000
N_ITEM = 50000
D = 128
E_ITEM = 500000
E_GU = 600000
E_SOC = 600000
SOCIAL_G = 0.1
ITEM_G = 0.2


def _graph_conv(x, src, dst, W, n):
    # DGL GraphConv(norm='both', weight=True, bias=False)
    deg_out = jnp.zeros((n,), jnp.float32).at[src].add(1.0)
    deg_in = jnp.zeros((n,), jnp.float32).at[dst].add(1.0)
    norm_src = jnp.where(deg_out > 0, jax.lax.rsqrt(jnp.maximum(deg_out, 1e-9)), 0.0)
    norm_dst = jnp.where(deg_in > 0, jax.lax.rsqrt(jnp.maximum(deg_in, 1e-9)), 0.0)
    h = (x * norm_src[:, None]) @ W
    agg = jnp.zeros((n, h.shape[1]), h.dtype).at[dst].add(h[src])
    return agg * norm_dst[:, None]


def _sage_mean(h_src, h_dst, src, dst, ew, W_self, W_neigh, b, n_dst):
    # DGL SAGEConv(aggregator='mean') with edge_weight (u_mul_e, mean over in-edges)
    msg = h_src[src] * ew[:, None]
    summed = jnp.zeros((n_dst, h_src.shape[1]), h_src.dtype).at[dst].add(msg)
    cnt = jnp.zeros((n_dst,), jnp.float32).at[dst].add(1.0)
    h_neigh = summed / jnp.maximum(cnt, 1.0)[:, None]
    return h_dst @ W_self + h_neigh @ W_neigh + b


def _gat_attention(h, src, dst, Wg, al, ar, n):
    # DGL GATConv(num_heads=1) attention coefficients (edge softmax over dst)
    feat = h @ Wg
    el = (feat * al).sum(-1)
    er = (feat * ar).sum(-1)
    e = jax.nn.leaky_relu(el[src] + er[dst], 0.2)
    emax = jnp.full((n,), -1e30, jnp.float32).at[dst].max(e)
    ex = jnp.exp(e - emax[dst])
    esum = jnp.zeros((n,), jnp.float32).at[dst].add(ex)
    return ex / (esum[dst] + 1e-9)


def setup_inputs(seed: int = 0):
    key = jax.random.key(seed)
    ks = jax.random.split(key, 18)
    s = 1.0 / np.sqrt(D)
    inp = {}
    inp['h_game'] = jax.random.normal(ks[0], (N_ITEM, D), jnp.float32) * 0.1
    inp['gu_weight'] = jax.random.uniform(ks[1], (E_GU,), jnp.float32)
    inp['user_embedding'] = jax.random.normal(ks[2], (N_USER, D), jnp.float32) * 0.1
    inp['item_embedding'] = jax.random.normal(ks[3], (N_ITEM, D), jnp.float32) * 0.1
    inp['W_gc0'] = jax.random.uniform(ks[4], (D, D), jnp.float32, -s, s)
    inp['W_gc1'] = jax.random.uniform(ks[5], (D, D), jnp.float32, -s, s)
    inp['W_self_i'] = jax.random.uniform(ks[6], (D, D), jnp.float32, -s, s)
    inp['W_neigh_i'] = jax.random.uniform(ks[7], (D, D), jnp.float32, -s, s)
    inp['b_i'] = jnp.zeros((D,), jnp.float32)
    inp['W_gat'] = jax.random.uniform(ks[8], (D, D), jnp.float32, -s, s)
    inp['attn_l'] = jax.random.normal(ks[9], (D,), jnp.float32) * s
    inp['attn_r'] = jax.random.normal(ks[10], (D,), jnp.float32) * s
    inp['W_self_s'] = jax.random.uniform(ks[11], (D, D), jnp.float32, -s, s)
    inp['W_neigh_s'] = jax.random.uniform(ks[12], (D, D), jnp.float32, -s, s)
    inp['b_s'] = jnp.zeros((D,), jnp.float32)
    inp['item_edge_index'] = jax.random.randint(ks[13], (2, E_ITEM), 0, N_ITEM, jnp.int32)
    inp['gu_src'] = jax.random.randint(ks[14], (E_GU,), 0, N_ITEM, jnp.int32)
    inp['gu_dst'] = jax.random.randint(ks[15], (E_GU,), 0, N_USER, jnp.int32)
    inp['social_edge_index'] = jax.random.randint(ks[16], (2, E_SOC), 0, N_USER, jnp.int32)
    return inp


def reference(h_game, gu_weight, user_embedding, item_embedding, W_gc0, W_gc1, W_self_i, W_neigh_i, b_i, W_gat, attn_l, attn_r, W_self_s, W_neigh_s, b_s, item_edge_index, gu_src, gu_dst, social_edge_index):
    isrc, idst = item_edge_index[0], item_edge_index[1]
    ssrc, sdst = social_edge_index[0], social_edge_index[1]
    # item_graph message passing (HeteroGraphConv with single 'game' relation == plain GraphConv)
    h = _graph_conv(h_game, isrc, idst, W_gc0, N_ITEM)
    h = _graph_conv(h, isrc, idst, W_gc1, N_ITEM)
    # game -> user SAGE aggregation with edge weights
    h_user_agg = _sage_mean(h, user_embedding, gu_src, gu_dst, gu_weight, W_self_i, W_neigh_i, b_i, N_USER)
    # GAT attention on social graph (num_heads=1, then sum over heads)
    alpha = _gat_attention(h_user_agg, ssrc, sdst, W_gat, attn_l, attn_r, N_USER)
    # social SAGE with GAT attention as edge weights
    h_user_social = _sage_mean(user_embedding, user_embedding, ssrc, sdst, alpha, W_self_s, W_neigh_s, b_s, N_USER)
    user_embed = (1.0 - SOCIAL_G - ITEM_G) * user_embedding + ITEM_G * h_user_agg + SOCIAL_G * h_user_social
    return user_embed, item_embedding

if __name__ == "__main__":
    import jax
    _d = setup_inputs()
    print(jax.jit(kernel)(*tuple(_d.values())))

</pallas_src>

<mosaic_0001>
#map = affine_map<(d0, d1) -> (0)>
#map1 = affine_map<(d0, d1) -> (0, 0)>
module attributes {stable_mosaic.version = 14 : i64} {
  func.func @body(%arg0: i32, %arg1: i32, %arg2: memref<524288xi32, #tpu.memory_space<hbm>>, %arg3: memref<524288xf32, #tpu.memory_space<hbm>>, %arg4: memref<32x50048xf32, #tpu.memory_space<hbm>>, %arg5: memref<50048xf32, #tpu.memory_space<vmem>>, %arg6: memref<4096xi32, #tpu.memory_space<vmem>>, %arg7: memref<4096xf32, #tpu.memory_space<vmem>>, %arg8: memref<!tpu.dma_semaphore, #tpu.memory_space<semaphore_mem>>) attributes {dimension_semantics = [#tpu.dimension_semantics<core_parallel>, #tpu.dimension_semantics<subcore_parallel>], iteration_bounds = array<i64: 2, 16>, scalar_prefetch = 0 : i64, scratch_operands = 4 : i64, tpu.core_type = #tpu.core_type<sc_vector_subcore>, window_params = [{transform_indices = #map}, {transform_indices = #map}, {transform_indices = #map1}]} {
    %mul3A = arith.constant 16 : i32
    %mul3A_0 = arith.muli %arg0, %mul3A : i32
    %add3A = arith.addi %mul3A_0, %arg1 : i32
    %scan3A = arith.constant 0 : i32
    %scan3A_1 = arith.constant 0 : i32
    %scan3A_2 = arith.constant 3128 : i32
    %scan3A_3 = arith.addi %scan3A_1, %scan3A_2 : i32
    %scan3A_4 = arith.constant 1 : i32
    %scan3A_5 = scf.for %scan3A_51 = %scan3A_1 to %scan3A_3 step %scan3A_4 iter_args(%scan3A_52 = %scan3A) -> (i32)  : i32 {
      %broadcast_in_dim3A = arith.constant 0.000000e+00 : f32
      %broadcast_in_dim3A_53 = vector.broadcast %broadcast_in_dim3A : f32 to vector<16xf32>
      %mul3A_54 = arith.constant 16 : i32
      %mul3A_55 = arith.muli %scan3A_51, %mul3A_54 : i32
      %swap3A = arith.index_cast %mul3A_55 : i32 to index
      %swap3A_56 = tpu.vector_load %arg5[%swap3A] {strides = array<i32>} : memref<50048xf32, #tpu.memory_space<vmem>>, vector<16xf32>,
      tpu.vector_store %arg5[%swap3A], %broadcast_in_dim3A_53 {strides = array<i32>} : memref<50048xf32, #tpu.memory_space<vmem>>, vector<16xf32>,
      %scan3A_57 = arith.constant 0 : i32
      scf.yield %scan3A_57 : i32
    }
    %scan3A_6 = arith.constant 3128 : i32
    %mul3A_7 = arith.constant 16384 : i32
    %mul3A_8 = arith.muli %add3A, %mul3A_7 : i32
    %add3A_9 = arith.constant 0 : i32
    %add3A_10 = arith.addi %mul3A_8, %add3A_9 : i32
    "tpu.region"() ({
      %run_scoped3A = tpu.sem_alloc : memref<!tpu.dma_semaphore, #tpu.memory_space<semaphore_mem>>
      %dma_start3A = tpu.memref_slice %arg2[%add3A_10] : memref<524288xi32, #tpu.memory_space<hbm>> -> memref<4096xi32, #tpu.memory_space<hbm>>
      %dma_start3A_51 = tpu.memref_slice %arg2[%add3A_10] : memref<524288xi32, #tpu.memory_space<hbm>> -> memref<4096xi32, #tpu.memory_space<hbm>>
      tpu.enqueue_dma source(%dma_start3A_51 : memref<4096xi32, #tpu.memory_space<hbm>>) target(%arg6 : memref<4096xi32, #tpu.memory_space<vmem>>) target_semaphore(%run_scoped3A : memref<!tpu.dma_semaphore, #tpu.memory_space<semaphore_mem>>)
      %dma_wait3A = tpu.memref_slice %arg2[%add3A_10] : memref<524288xi32, #tpu.memory_space<hbm>> -> memref<4096xi32, #tpu.memory_space<hbm>>
      %dma_wait3A_52 = tpu.memref_slice %arg2[%add3A_10] : memref<524288xi32, #tpu.memory_space<hbm>> -> memref<4096xi32, #tpu.memory_space<hbm>>
      tpu.wait_dma2 semaphore(%run_scoped3A : memref<!tpu.dma_semaphore, #tpu.memory_space<semaphore_mem>>) src(%dma_wait3A_52 : memref<4096xi32, #tpu.memory_space<hbm>>) dst(%arg6 : memref<4096xi32, #tpu.memory_space<vmem>>)
      tpu.yield
    }) : () -> ()
    %scan3A_11 = arith.constant 0 : i32
    %scan3A_12 = arith.constant 0 : i32
    %scan3A_13 = arith.constant 256 : i32
    %scan3A_14 = arith.addi %scan3A_12, %scan3A_13 : i32
    %scan3A_15 = arith.constant 1 : i32
    %scan3A_16 = scf.for %scan3A_51 = %scan3A_12 to %scan3A_14 step %scan3A_15 iter_args(%scan3A_52 = %scan3A_11) -> (i32)  : i32 {
      %mul3A_53 = arith.constant 16 : i32
      %mul3A_54 = arith.muli %scan3A_51, %mul3A_53 : i32
      %get3A = arith.index_cast %mul3A_54 : i32 to index
      %get3A_55 = tpu.vector_load %arg6[%get3A] {strides = array<i32>} : memref<4096xi32, #tpu.memory_space<vmem>>, vector<16xi32>,
      %broadcast_in_dim3A = arith.constant 1.000000e+00 : f32
      %broadcast_in_dim3A_56 = vector.broadcast %broadcast_in_dim3A : f32 to vector<16xf32>
      tpu.vector_store_idx %arg5[%get3A_55], %broadcast_in_dim3A_56 {add = true} : memref<50048xf32, #tpu.memory_space<vmem>>[vector<16xi32>], vector<16xf32>,
      %scan3A_57 = arith.constant 0 : i32
      scf.yield %scan3A_57 : i32
    }
    %scan3A_17 = arith.constant 256 : i32
    %mul3A_18 = arith.constant 16384 : i32
    %mul3A_19 = arith.muli %add3A, %mul3A_18 : i32
    %add3A_20 = arith.constant 4096 : i32
    %add3A_21 = arith.addi %mul3A_19, %add3A_20 : i32
    "tpu.region"() ({
      %run_scoped3A = tpu.sem_alloc : memref<!tpu.dma_semaphore, #tpu.memory_space<semaphore_mem>>
      %dma_start3A = tpu.memref_slice %arg2[%add3A_21] : memref<524288xi32, #tpu.memory_space<hbm>> -> memref<4096xi32, #tpu.memory_space<hbm>>
      %dma_start3A_51 = tpu.memref_slice %arg2[%add3A_21] : memref<524288xi32, #tpu.memory_space<hbm>> -> memref<4096xi32, #tpu.memory_space<hbm>>
      tpu.enqueue_dma source(%dma_start3A_51 : memref<4096xi32, #tpu.memory_space<hbm>>) target(%arg6 : memref<4096xi32, #tpu.memory_space<vmem>>) target_semaphore(%run_scoped3A : memref<!tpu.dma_semaphore, #tpu.memory_space<semaphore_mem>>)
      %dma_wait3A = tpu.memref_slice %arg2[%add3A_21] : memref<524288xi32, #tpu.memory_space<hbm>> -> memref<4096xi32, #tpu.memory_space<hbm>>
      %dma_wait3A_52 = tpu.memref_slice %arg2[%add3A_21] : memref<524288xi32, #tpu.memory_space<hbm>> -> memref<4096xi32, #tpu.memory_space<hbm>>
      tpu.wait_dma2 semaphore(%run_scoped3A : memref<!tpu.dma_semaphore, #tpu.memory_space<semaphore_mem>>) src(%dma_wait3A_52 : memref<4096xi32, #tpu.memory_space<hbm>>) dst(%arg6 : memref<4096xi32, #tpu.memory_space<vmem>>)
      tpu.yield
    }) : () -> ()
    %scan3A_22 = arith.constant 0 : i32
    %scan3A_23 = arith.constant 0 : i32
    %scan3A_24 = arith.constant 256 : i32
    %scan3A_25 = arith.addi %scan3A_23, %scan3A_24 : i32
    %scan3A_26 = arith.constant 1 : i32
    %scan3A_27 = scf.for %scan3A_51 = %scan3A_23 to %scan3A_25 step %scan3A_26 iter_args(%scan3A_52 = %scan3A_22) -> (i32)  : i32 {
      %mul3A_53 = arith.constant 16 : i32
      %mul3A_54 = arith.muli %scan3A_51, %mul3A_53 : i32
      %get3A = arith.index_cast %mul3A_54 : i32 to index
      %get3A_55 = tpu.vector_load %arg6[%get3A] {strides = array<i32>} : memref<4096xi32, #tpu.memory_space<vmem>>, vector<16xi32>,
      %broadcast_in_dim3A = arith.constant 1.000000e+00 : f32
      %broadcast_in_dim3A_56 = vector.broadcast %broadcast_in_dim3A : f32 to vector<16xf32>
      tpu.vector_store_idx %arg5[%get3A_55], %broadcast_in_dim3A_56 {add = true} : memref<50048xf32, #tpu.memory_space<vmem>>[vector<16xi32>], vector<16xf32>,
      %scan3A_57 = arith.constant 0 : i32
      scf.yield %scan3A_57 : i32
    }
    %scan3A_28 = arith.constant 256 : i32
    %mul3A_29 = arith.constant 16384 : i32
    %mul3A_30 = arith.muli %add3A, %mul3A_29 : i32
    %add3A_31 = arith.constant 8192 : i32
    %add3A_32 = arith.addi %mul3A_30, %add3A_31 : i32
    "tpu.region"() ({
      %run_scoped3A = tpu.sem_alloc : memref<!tpu.dma_semaphore, #tpu.memory_space<semaphore_mem>>
      %dma_start3A = tpu.memref_slice %arg2[%add3A_32] : memref<524288xi32, #tpu.memory_space<hbm>> -> memref<4096xi32, #tpu.memory_space<hbm>>
      %dma_start3A_51 = tpu.memref_slice %arg2[%add3A_32] : memref<524288xi32, #tpu.memory_space<hbm>> -> memref<4096xi32, #tpu.memory_space<hbm>>
      tpu.enqueue_dma source(%dma_start3A_51 : memref<4096xi32, #tpu.memory_space<hbm>>) target(%arg6 : memref<4096xi32, #tpu.memory_space<vmem>>) target_semaphore(%run_scoped3A : memref<!tpu.dma_semaphore, #tpu.memory_space<semaphore_mem>>)
      %dma_wait3A = tpu.memref_slice %arg2[%add3A_32] : memref<524288xi32, #tpu.memory_space<hbm>> -> memref<4096xi32, #tpu.memory_space<hbm>>
      %dma_wait3A_52 = tpu.memref_slice %arg2[%add3A_32] : memref<524288xi32, #tpu.memory_space<hbm>> -> memref<4096xi32, #tpu.memory_space<hbm>>
      tpu.wait_dma2 semaphore(%run_scoped3A : memref<!tpu.dma_semaphore, #tpu.memory_space<semaphore_mem>>) src(%dma_wait3A_52 : memref<4096xi32, #tpu.memory_space<hbm>>) dst(%arg6 : memref<4096xi32, #tpu.memory_space<vmem>>)
      tpu.yield
    }) : () -> ()
    %scan3A_33 = arith.constant 0 : i32
    %scan3A_34 = arith.constant 0 : i32
    %scan3A_35 = arith.constant 256 : i32
    %scan3A_36 = arith.addi %scan3A_34, %scan3A_35 : i32
    %scan3A_37 = arith.constant 1 : i32
    %scan3A_38 = scf.for %scan3A_51 = %scan3A_34 to %scan3A_36 step %scan3A_37 iter_args(%scan3A_52 = %scan3A_33) -> (i32)  : i32 {
      %mul3A_53 = arith.constant 16 : i32
      %mul3A_54 = arith.muli %scan3A_51, %mul3A_53 : i32
      %get3A = arith.index_cast %mul3A_54 : i32 to index
      %get3A_55 = tpu.vector_load %arg6[%get3A] {strides = array<i32>} : memref<4096xi32, #tpu.memory_space<vmem>>, vector<16xi32>,
      %broadcast_in_dim3A = arith.constant 1.000000e+00 : f32
      %broadcast_in_dim3A_56 = vector.broadcast %broadcast_in_dim3A : f32 to vector<16xf32>
      tpu.vector_store_idx %arg5[%get3A_55], %broadcast_in_dim3A_56 {add = true} : memref<50048xf32, #tpu.memory_space<vmem>>[vector<16xi32>], vector<16xf32>,
      %scan3A_57 = arith.constant 0 : i32
      scf.yield %scan3A_57 : i32
    }
    %scan3A_39 = arith.constant 256 : i32
    %mul3A_40 = arith.constant 16384 : i32
    %mul3A_41 = arith.muli %add3A, %mul3A_40 : i32
    %add3A_42 = arith.constant 12288 : i32
    %add3A_43 = arith.addi %mul3A_41, %add3A_42 : i32
    "tpu.region"() ({
      %run_scoped3A = tpu.sem_alloc : memref<!tpu.dma_semaphore, #tpu.memory_space<semaphore_mem>>
      %dma_start3A = tpu.memref_slice %arg2[%add3A_43] : memref<524288xi32, #tpu.memory_space<hbm>> -> memref<4096xi32, #tpu.memory_space<hbm>>
      %dma_start3A_51 = tpu.memref_slice %arg2[%add3A_43] : memref<524288xi32, #tpu.memory_space<hbm>> -> memref<4096xi32, #tpu.memory_space<hbm>>
      tpu.enqueue_dma source(%dma_start3A_51 : memref<4096xi32, #tpu.memory_space<hbm>>) target(%arg6 : memref<4096xi32, #tpu.memory_space<vmem>>) target_semaphore(%run_scoped3A : memref<!tpu.dma_semaphore, #tpu.memory_space<semaphore_mem>>)
      %dma_wait3A = tpu.memref_slice %arg2[%add3A_43] : memref<524288xi32, #tpu.memory_space<hbm>> -> memref<4096xi32, #tpu.memory_space<hbm>>
      %dma_wait3A_52 = tpu.memref_slice %arg2[%add3A_43] : memref<524288xi32, #tpu.memory_space<hbm>> -> memref<4096xi32, #tpu.memory_space<hbm>>
      tpu.wait_dma2 semaphore(%run_scoped3A : memref<!tpu.dma_semaphore, #tpu.memory_space<semaphore_mem>>) src(%dma_wait3A_52 : memref<4096xi32, #tpu.memory_space<hbm>>) dst(%arg6 : memref<4096xi32, #tpu.memory_space<vmem>>)
      tpu.yield
    }) : () -> ()
    %scan3A_44 = arith.constant 0 : i32
    %scan3A_45 = arith.constant 0 : i32
    %scan3A_46 = arith.constant 256 : i32
    %scan3A_47 = arith.addi %scan3A_45, %scan3A_46 : i32
    %scan3A_48 = arith.constant 1 : i32
    %scan3A_49 = scf.for %scan3A_51 = %scan3A_45 to %scan3A_47 step %scan3A_48 iter_args(%scan3A_52 = %scan3A_44) -> (i32)  : i32 {
      %mul3A_53 = arith.constant 16 : i32
      %mul3A_54 = arith.muli %scan3A_51, %mul3A_53 : i32
      %get3A = arith.index_cast %mul3A_54 : i32 to index
      %get3A_55 = tpu.vector_load %arg6[%get3A] {strides = array<i32>} : memref<4096xi32, #tpu.memory_space<vmem>>, vector<16xi32>,
      %broadcast_in_dim3A = arith.constant 1.000000e+00 : f32
      %broadcast_in_dim3A_56 = vector.broadcast %broadcast_in_dim3A : f32 to vector<16xf32>
      tpu.vector_store_idx %arg5[%get3A_55], %broadcast_in_dim3A_56 {add = true} : memref<50048xf32, #tpu.memory_space<vmem>>[vector<16xi32>], vector<16xf32>,
      %scan3A_57 = arith.constant 0 : i32
      scf.yield %scan3A_57 : i32
    }
    %scan3A_50 = arith.constant 256 : i32
    "tpu.region"() ({
      %run_scoped3A = tpu.sem_alloc : memref<!tpu.dma_semaphore, #tpu.memory_space<semaphore_mem>>
      %dma_start3A = arith.constant 0 : i32
      %dma_start3A_51 = tpu.memref_slice %arg4[%add3A, %dma_start3A] : memref<32x50048xf32, #tpu.memory_space<hbm>> -> memref<1x50048xf32, #tpu.memory_space<hbm>>
      %dma_start3A_52 = tpu.memref_squeeze %dma_start3A_51 : memref<1x50048xf32, #tpu.memory_space<hbm>> -> memref<50048xf32, #tpu.memory_space<hbm>>
      %dma_start3A_53 = arith.constant 0 : i32
      %dma_start3A_54 = tpu.memref_slice %arg4[%add3A, %dma_start3A_53] : memref<32x50048xf32, #tpu.memory_space<hbm>> -> memref<1x50048xf32, #tpu.memory_space<hbm>>
      %dma_start3A_55 = tpu.memref_squeeze %dma_start3A_54 : memref<1x50048xf32, #tpu.memory_space<hbm>> -> memref<50048xf32, #tpu.memory_space<hbm>>
      tpu.enqueue_dma source(%arg5 : memref<50048xf32, #tpu.memory_space<vmem>>) target(%dma_start3A_55 : memref<50048xf32, #tpu.memory_space<hbm>>) target_semaphore(%run_scoped3A : memref<!tpu.dma_semaphore, #tpu.memory_space<semaphore_mem>>)
      %dma_wait3A = arith.constant 0 : i32
      %dma_wait3A_56 = tpu.memref_slice %arg4[%add3A, %dma_wait3A] : memref<32x50048xf32, #tpu.memory_space<hbm>> -> memref<1x50048xf32, #tpu.memory_space<hbm>>
      %dma_wait3A_57 = tpu.memref_squeeze %dma_wait3A_56 : memref<1x50048xf32, #tpu.memory_space<hbm>> -> memref<50048xf32, #tpu.memory_space<hbm>>
      %dma_wait3A_58 = arith.constant 0 : i32
      %dma_wait3A_59 = tpu.memref_slice %arg4[%add3A, %dma_wait3A_58] : memref<32x50048xf32, #tpu.memory_space<hbm>> -> memref<1x50048xf32, #tpu.memory_space<hbm>>
      %dma_wait3A_60 = tpu.memref_squeeze %dma_wait3A_59 : memref<1x50048xf32, #tpu.memory_space<hbm>> -> memref<50048xf32, #tpu.memory_space<hbm>>
      tpu.wait_dma2 semaphore(%run_scoped3A : memref<!tpu.dma_semaphore, #tpu.memory_space<semaphore_mem>>) src(%arg5 : memref<50048xf32, #tpu.memory_space<vmem>>) dst(%dma_wait3A_60 : memref<50048xf32, #tpu.memory_space<hbm>>)
      tpu.yield
    }) : () -> ()
    return
  }
}

</mosaic_0001>

<sc_bundles>
// kernel: _hist_call.3.cloned.1.call-start
scs
__scs_entry_jumppad:
0x0: {  	(pc) =	sbr.rel $0x88, $3  }
0x1: {  	(tag) =	ssettag $0x0;
	lr =	simm.s32 $0x1  }
0x2: {  	[smem:$0x3F9F] =	sst lr;
	_ =	strace $0xD0000000  }
0x3: {  	_ = 	snop  }
0x4: {  	_ = 	snop  }
0x5: {  	_ = 	snop  }
0x6: {  	_ = 	snop  }
0x7: {  	_ = 	snop  }
__scs_overlays_trampoline_lowered:
0x8: {  	[smem:$0x3FAE] =	sst s0  }
0x9: {  	[smem:$0x3FAF] =	sst s1  }
0xa: {  	[smem:$0x3FB0] =	sst s2  }
0xb: {  	[smem:$0x3FB1] =	sst s3  }
0xc: {  	[smem:$0x3FB2] =	sst s4  }
0xd: {  	[smem:$0x3FB3] =	sst s5  }
0xe: {  	[smem:$0x3FB4] =	sst s6  }
0xf: {  	[smem:$0x3FB5] =	sst s7  }
0x10: {  	[smem:$0x3FB6] =	sst s8  }
0x11: {  	[smem:$0x3FB7] =	sst s9;
	s0 =	simm.s32 @!p0 $0x0  }
0x12: {  	s1 =	sld [smem:$0x3F9D];
	s0 =	simm.s32 @p0 $0x1  }
0x13: {  	[smem:$0x3FB8] =	sst s0;
	s0 =	simm.s32 @!p1 $0x0  }
0x14: {  	s2 =	sld [smem:$0x3F9C];
	s0 =	simm.s32 @p1 $0x1  }
0x15: {  	[smem:$0x3FB9] =	sst s0;
	s0 =	simm.s32 @!p2 $0x0  }
0x16: {  	s3 =	sld [smem:$0x3FDB];
	s0 =	simm.s32 @p2 $0x1  }
0x17: {  	s4 =	simm.s32 $0x1BF5;
	[smem:$0x3FBB] =	sst s0  }
0x18: {  	s0 =	sld [smem:$0x3F9E];
	_ =	swait.ge [sflag:s4], $0x0  }
0x19: {  	s7 =	sld [smem:$0x3F9F]  }
0x1a: {  	s8 =	sadd.s32 $0xFFFFE003, lr  }
0x1b: {  	s9 =	sadd.s32 $0xFFFFFEF7, lr;
	s5 =	simm.s32 $0xFFFFFFFF;
	p2 =	slt.u32 s8, $0xFFFFF086  }
0x1c: {  	p1 =	slt.u32 s9, $0xF7A;
	s5 =	simm.s32 @!p2 $0x0  }
0x1d: {  	s5 =	simm.s32 @p1 $0x1;
	p0 =	seq.s32 s7, s2  }
0x1e: {  	s7 =	smul.u32 @!p0 $0xF7A, s2;
	p2 =	seq.s32 @!p0 s5, $0x0  }
0x1f: {  	s9 =	smul.u32 $0xF7A, s1;
	s8 =	simm.s32 @!p0 $0x1BF5;
	p2 =	por !p2, p0  }
0x20: {  	[sflag:s8] =	ssyncset.s32 @!p0 $0xFFFFF086;
	s6 =	sadd.s32 @!p0 s3, s7;
	s7 =	simm.s32 @!p0 $0x108  }
0x21: {  	s3 =	sadd.s32 s3, s9;
	s6 =	sadd.s32 @!p0 $0x88, s6;
	s7 =	simm.s32 @p2 $0x1082  }
0x22: {  	[simem:s7], [sflag:s8] =	dma.local @!p0 [hbm:s6], $0xF7A  }
0x23: {  	s9 =	sor.u32 $0xD0000000, s2;
	s6 =	simm.s32 $0x108;
	_ =	swait.ge @!p0 [sflag:s8], $0x0  }
0x24: {  	s3 =	sadd.s32 $0x88, s3;
	s6 =	simm.s32 @!p1 $0x1082;
	[sflag:s4] =	ssyncset.s32 $0xFFFFF086  }
0x25: {  	[simem:s6], [sflag:s4] =	dma.local [hbm:s3], $0xF7A  }
0x26: {  	[smem:$0x3F9F] =	sst s1;
	(tag) =	ssettag s2;
	_ =	strace s9  }
0x27: {  	s1 =	sld [smem:$0x3FAF]  }
0x28: {  	s2 =	sld [smem:$0x3FB0]  }
0x29: {  	s4 =	sld [smem:$0x3FB2]  }
0x2a: {  	p0 =	seq.s32 s5, $0x0;
	s5 =	sld [smem:$0x3FB3]  }
0x2b: {  	s6 =	sld [smem:$0x3FB4]  }
0x2c: {  	s7 =	sld [smem:$0x3FB5]  }
0x2d: {  	s3 =	simm.s32 $0x108;
	s8 =	sld [smem:$0x3FB6]  }
0x2e: {  	s3 =	simm.s32 @!p0 $0x1082;
	s9 =	sld [smem:$0x3FB7]  }
0x2f: {  	lr =	sadd.s32 s0, s3;
	s0 =	sld [smem:$0x3FAE]  }
0x30: {  	s3 =	sld [smem:$0x3FB1]  }
0x31: {  	[smem:$0x3FBA] =	sst s10  }
0x32: {  	s10 =	sld [smem:$0x3FB8];
	_ =	sdelay $0x3  }
0x33: {  	p0 =	seq.s32 s10, $0x1;
	s10 =	sld [smem:$0x3FBA];
	_ =	sdelay $0x3  }
0x34: {  	[smem:$0x3FBA] =	sst s10  }
0x35: {  	s10 =	sld [smem:$0x3FB9];
	_ =	sdelay $0x3  }
0x36: {  	p1 =	seq.s32 s10, $0x1;
	s10 =	sld [smem:$0x3FBA];
	_ =	sdelay $0x3  }
0x37: {  	[smem:$0x3FBA] =	sst s10  }
0x38: {  	s10 =	sld [smem:$0x3FBB]  }
0x39: {  	_ = 	snop;
	(pc) =	sbr.ind lr, $3  }
0x3a: {  	_ = 	snop  }
0x3b: {  	_ = 	snop  }
0x3c: {  	p2 =	seq.s32 s10, $0x1;
	s10 =	sld [smem:$0x3FBA]  }
0x3d: {  	_ =	shalt  }
0x3e: {  	_ =	shalt  }
0x3f: {  	_ =	shalt  }
0x40: {  	_ =	shalt  }
0x41: {  	_ =	shalt  }
0x42: {  	_ =	shalt  }
0x43: {  	_ =	shalt  }
0x44: {  	_ =	shalt  }
0x45: {  	_ =	shalt  }
0x46: {  	_ =	shalt  }
0x47: {  	_ =	shalt  }
0x48: {  	_ =	shalt  }
0x49: {  	_ =	shalt  }
0x4a: {  	_ =	shalt  }
0x4b: {  	_ =	shalt  }
0x4c: {  	_ =	shalt  }
0x4d: {  	_ =	shalt  }
0x4e: {  	_ =	shalt  }
0x4f: {  	_ =	shalt  }
0x50: {  	_ =	shalt  }
0x51: {  	_ =	shalt  }
0x52: {  	_ =	shalt  }
0x53: {  	_ =	shalt  }
0x54: {  	_ =	shalt  }
0x55: {  	_ =	shalt  }
0x56: {  	_ =	shalt  }
0x57: {  	_ =	shalt  }
0x58: {  	_ =	shalt  }
0x59: {  	_ =	shalt  }
0x5a: {  	_ =	shalt  }
0x5b: {  	_ =	shalt  }
0x5c: {  	_ =	shalt  }
0x5d: {  	_ =	shalt  }
0x5e: {  	_ =	shalt  }
0x5f: {  	_ =	shalt  }
0x60: {  	_ =	shalt  }
0x61: {  	_ =	shalt  }
0x62: {  	_ =	shalt  }
0x63: {  	_ =	shalt  }
0x64: {  	_ =	shalt  }
0x65: {  	_ =	shalt  }
0x66: {  	_ =	shalt  }
0x67: {  	_ =	shalt  }
0x68: {  	_ =	shalt  }
0x69: {  	_ =	shalt  }
0x6a: {  	_ =	shalt  }
0x6b: {  	_ =	shalt  }
0x6c: {  	_ =	shalt  }
0x6d: {  	_ =	shalt  }
0x6e: {  	_ =	shalt  }
0x6f: {  	_ =	shalt  }
0x70: {  	_ =	shalt  }
0x71: {  	_ =	shalt  }
0x72: {  	_ =	shalt  }
0x73: {  	_ =	shalt  }
0x74: {  	_ =	shalt  }
0x75: {  	_ =	shalt  }
0x76: {  	_ =	shalt  }
0x77: {  	_ =	shalt  }
0x78: {  	_ =	shalt  }
0x79: {  	_ =	shalt  }
0x7a: {  	_ =	shalt  }
0x7b: {  	_ =	shalt  }
0x7c: {  	_ =	shalt  }
0x7d: {  	_ =	shalt  }
0x7e: {  	_ =	shalt  }
0x7f: {  	_ =	shalt  }
0x80: {  	_ =	shalt  }
0x81: {  	_ =	shalt  }
0x82: {  	_ =	shalt  }
0x83: {  	_ =	shalt  }
0x84: {  	_ =	shalt  }
0x85: {  	_ =	shalt  }
0x86: {  	_ =	shalt  }
0x87: {  	_ =	shalt  }
.Lfunc_end0:
.L_simem_size_0:
called_computation_lowered:
.L_overlay_start_0:
0x88: {  	s2 =	sld [smem:$0x3FD9]  }
0x89: {  	s3 =	sld [smem:$0x3FFE];
	_ =	sdelay $0x1  }
0x8a: {  	s1 =	srdreg.scid  }
0x8b: {  	s0 =	sand.u32 $0x1, s1  }
0x8c: {  	s18 =	sshll.u32 s0, $0xA;
	s2 =	sadd.s32 s3, s2  }
0x8d: {  	s2 =	sadd.s32 s2, s18  }
0x8e: {  	[smem:$0x3FC6] =	sst s2  }
0x8f: {  	_ = 	snop  }
0x90: {  	s2 =	sld [smem:$0x3FC9]  }
0x91: {  	s19 =	sld [smem:$0x3FD0];
	(tm) =	ssettm $0x1  }
0x92: {  	s4 =	sld [smem:$0x3FFB];
	_ =	sdelay $0x3  }
0x93: {  	_ =	strace s4  }
0x94: {  	s4 =	sld [smem:$0x3FFC];
	_ =	sdelay $0x3  }
0x95: {  	_ =	strace s4  }
0x96: {  	s4 =	sld [smem:$0x3FFD];
	_ =	sdelay $0x3  }
0x97: {  	_ =	strace s4  }
0x98: {  	_ =	strace $0x8FFFFFFF  }
0x99: {  	s20 =	sld [smem:$0x3FDB];
	_ =	sdelay $0x1  }
0x9a: {  	s5 =	simm.s32 $_scs_section_size  }
0x9b: {  	s6 =	simm.s32 $_size__tile_overlayer_lowered;
	s7 =	simm.s32 $_tile_overlayer_lowered  }
0x9c: {  	s23 =	simm.s32 $0x1BFF;
	s22 =	sshll.u32 s7, $0x1;
	s4 =	sadd.s32 s5, s20  }
0x9d: {  	s8 =	simm.s32 $0x0;
	s21 =	sshll.u32 s6, $0x1;
	s6 =	sadd.s32 s22, s4  }
0x9e: {  	[timem:s8], [sflag:s23] =	dma.local [hbm:s6], s21  }
0x9f: {  	_ =	swait.ge [sflag:s23], s21  }
0xa0: {  	s5 =	ssub.s32 $0x0, s21;
	[sflag:s23] =	ssyncset.done $0x0  }
0xa1: {  	[sflag:s23] =	ssyncadd.s32 s5;
	_ =	sdelay $0x1  }
0xa2: {  	s24 =	simm.s32 $0x1B8B  }
0xa3: {  	_ =	swait.ge [sflag:s24], $0x1  }
0xa4: {  	[sflag:s24] =	ssyncset.done $0x0  }
0xa5: {  	s25 =	simm.s32 $0x1B8E;
	[sflag:s24] =	ssyncadd.s32 $0xFFFFFFFF  }
0xa6: {  	s26 =	simm.s32 $execute0_lowered;
	[smem:$0x3FD2] =	sst s25  }
0xa7: {  	s5 =	sshll.u32 s26, $0x1;
	_ =	strace $0x80000046;
	[dreg:$0x1] =	wrdreg $0xFFFFFFFF  }
0xa8: {  	s28 =	simm.s32 $_size_execute0_lowered;
	s4 =	sadd.s32 s4, s5;
	[dreg:$0x0] =	wrdreg $0x0  }
0xa9: {  	s5 =	sshll.u32 s28, $0x1;
	[dreg:$0x2] =	wrdreg s4  }
0xaa: {  	[dreg:$0x3] =	wrdreg s5  }
0xab: {  	[dreg:$0x4] =	wrdreg $0xC0  }
0xac: {  	_ =	task [dreg:s8], $0x5FFFF  }
0xad: {  	[dreg:$0x1] =	wrdreg $0xFFFFFFFF  }
0xae: {  	[dreg:$0x0] =	wrdreg $0x60  }
0xaf: {  	[dreg:$0x2] =	wrdreg s2  }
0xb0: {  	[dreg:$0x3] =	wrdreg s19  }
0xb1: {  	[dreg:$0x4] =	wrdreg $0x9  }
0xb2: {  	_ =	task.clear_ibuf [dreg:s8], $0x5FFFF;
	_ =	strace $0x90000046  }
0xb3: {  	s29 =	simm.s32 $0x9;
	_ =	strace $0x80000048  }
0xb4: {  	_ =	swait.ge [sflag:s29], $0x1  }
0xb5: {  	[sflag:s29] =	ssyncadd.s32 $0xFFFFFFFF  }
0xb6: {  	_ =	strace $0x90000048  }
0xb7: {  	_ =	sfence  }
0xb8: {  	s30 =	sld [smem:$0x0];
	_ =	sdelay $0x2  }
0xb9: {  	s31 =	sshll.u32 s1, $0xD;
	s1 =	sshrl.u32 s1, $0x2  }
0xba: {  	s3 =	sand.u32 $0x4000, s31;
	s1 =	sadd.s32 s1, s30  }
0xbb: {  	s0 =	sor.u32 s3, s0;
	s1 =	sshll.u32 s1, $0x11  }
0xbc: {  	s0 =	sor.u32 s1, s0  }
0xbd: {  	s0 =	sadd.s32 $0x8F2B, s0  }
0xbe: {  	[sflag:s0] =	ssyncadd.remote.s32 $0x1  }
0xbf: {  	_ =	sfence.sel $0xFFFF  }
0xc0: {  	[dreg:$0x0] =	wrdreg $0xFFFFFFFF;
	(pc) =	sbr.abs _section_cstart, $3  }
0xc1: {  	[dreg:$0x1] =	wrdreg $0xFFFFFFFF  }
0xc2: {  	_ =	task.clear_ibuf [dreg:s8], $0x2FFFF;
	_ =	strace $0x9FFFFFFF  }
0xc3: {  	(tm) =	ssettm $0x7FFFFFFF  }
tec
execute0_lowered:
.L_overlay_start_1:
0x0: {  	(tag) =	ssettag $0x1  }
0x1: {  	s0 =	srdreg.scid;
	s3 =	rddreg [dreg:$0x0]  }
0x2: {  	s7 =	rddreg [dreg:$0x1];
	s1 =	stileid.u32;
	s2 =	simm.s32 $0x0  }
0x3: {  	s10 =	simm.s32 $0x1;
	s11 =	simm.s32 $0x80;
	s4 =	sand.u32 $0x1, s0  }
0x4: {  	s12 =	simm.s32 $0x400;
	s0 =	rddreg [dreg:$0x2];
	s5 =	sshll.u32 s4, $0x4  }
0x5: {  	s13 =	simm.s32 $0x0;
	[smem:$0x7FF] =	sst s2;
	s5 =	sor.u32 s1, s5  }
0x6: {  	s8 =	sshll.u32 s1, $0x7;
	s4 =	ssub.s32 $0x2, s4;
	s6 =	sshrl.u32 s5, $0x3  }
0x7: {  	_ =	strace $0x80000047;
	s9 =	sshrl.u32 s4, $0x1;
	s6 =	smul.u32 $0x61C00, s6  }
0x8: {  	s8 =	sand.u32 $0x380, s8;
	s5 =	sshll.u32 s5, $0xB;
	s30 =	ssub.s32 s4, s9  }
0x9: {  	s9 =	simm.s32 $0xC380;
	s3 =	sadd.s32 s3, s5;
	s29 =	sor.u32 s8, s6  }
0xa: {  	s4 =	sadd.s32 $0x200, s3;
	s5 =	sadd.s32 $0x400, s3;
	s31 =	sshrl.u32 s29, $0x3  }
0xb: {  	v0 =	vimm.f32 $0.0e+00;
	v1 =	vimm.f32 $1.000000000e+00;
	s6 =	sadd.s32 $0x600, s3;
	s8 =	smax.u32 s30, $0x1;
	s7 =	sadd.s32 s7, s31  }
.LBB2_1:
0xc: {  	s14 =	simm.s32 $0x40;
	s15 =	simm.s32 $0x0  }
.LBB2_2:
0xd: {  	p0 =	sne.s32 s14, $0x30DC0;
	[tilespmem:s15+$0x0] =	vst v0;
	s15 =	smov.u32 s14;
	s14 =	sadd.s32 $0x40, s14  }
.Ltmp0:
0xe: {  	(pc) =	sbr.rel @p0 .LBB2_2-.Ltmp0, $2  }
0xf: {  	_ =	sdelay $0x2  }
0x10: {  	s15 =	sshra.s32 s15, $0x2  }
0x11: {  	[tilespmem:s15+$0x0] =	vst v0;
	s14 =	simm.s32 $0x0  }
0x12: {  	[tilespmem:s9], [sflag:$0x1] =	stream.linear.gather [hbm4b:s3+s14], $0x1000, $0x38;
	[tilespmem:$0xD380] =	vst v63  }
0x13: {  	_ =	swait.ge [sflag:s10], $0x1000  }
0x14: {  	[sflag:s10] =	ssyncset.done $0x0  }
0x15: {  	s15 =	simm.s32 $0x0;
	s14 =	simm.s32 $0x40;
	[sflag:s10] =	ssyncadd.s32 $0xFFFFF000  }
.LBB2_4:
0x16: {  	p0 =	sne.s32 s14, $0x3FC0;
	v2 =	vld [tilespmem:s15+$0xC380];
	_ =	sdelay $0x3  }
.Ltmp1:
0x17: {  	(pc) =	sbr.rel @p0 .LBB2_4-.Ltmp1, $2  }
0x18: {  	_ =	sdelay $0x2  }
0x19: {  	s15 =	sshra.s32 s14, $0x2;
	s14 =	sadd.s32 $0x40, s14;
	[tilespmem:v2+s2+$0x0] =	vst.idx.add.f32.msk $0xffff, v1  }
0x1a: {  	v2 =	vld [tilespmem:s15+$0xC380];
	_ =	sdelay $0x7  }
0x1b: {  	s14 =	simm.s32 $0x0;
	[tilespmem:v2+s2+$0x0] =	vst.idx.add.f32.msk $0xffff, v1  }
0x1c: {  	[tilespmem:s9], [sflag:$0x1] =	stream.linear.gather [hbm4b:s4+s14], $0x1000, $0x38;
	[tilespmem:$0xD380] =	vst v63  }
0x1d: {  	_ =	swait.ge [sflag:s10], $0x1000  }
0x1e: {  	[sflag:s10] =	ssyncset.done $0x0  }
0x1f: {  	s15 =	simm.s32 $0x0;
	s14 =	simm.s32 $0x40;
	[sflag:s10] =	ssyncadd.s32 $0xFFFFF000  }
.LBB2_6:
0x20: {  	p0 =	sne.s32 s14, $0x3FC0;
	v2 =	vld [tilespmem:s15+$0xC380];
	_ =	sdelay $0x3  }
.Ltmp2:
0x21: {  	(pc) =	sbr.rel @p0 .LBB2_6-.Ltmp2, $2  }
0x22: {  	_ =	sdelay $0x2  }
0x23: {  	s15 =	sshra.s32 s14, $0x2;
	s14 =	sadd.s32 $0x40, s14;
	[tilespmem:v2+s2+$0x0] =	vst.idx.add.f32.msk $0xffff, v1  }
0x24: {  	v2 =	vld [tilespmem:s15+$0xC380];
	_ =	sdelay $0x7  }
0x25: {  	s14 =	simm.s32 $0x0;
	[tilespmem:v2+s2+$0x0] =	vst.idx.add.f32.msk $0xffff, v1  }
0x26: {  	[tilespmem:s9], [sflag:$0x1] =	stream.linear.gather [hbm4b:s5+s14], $0x1000, $0x38;
	[tilespmem:$0xD380] =	vst v63  }
0x27: {  	_ =	swait.ge [sflag:s10], $0x1000  }
0x28: {  	[sflag:s10] =	ssyncset.done $0x0  }
0x29: {  	s15 =	simm.s32 $0x0;
	s14 =	simm.s32 $0x40;
	[sflag:s10] =	ssyncadd.s32 $0xFFFFF000  }
.LBB2_8:
0x2a: {  	p0 =	sne.s32 s14, $0x3FC0;
	v2 =	vld [tilespmem:s15+$0xC380];
	_ =	sdelay $0x3  }
.Ltmp3:
0x2b: {  	(pc) =	sbr.rel @p0 .LBB2_8-.Ltmp3, $2  }
0x2c: {  	_ =	sdelay $0x2  }
0x2d: {  	s15 =	sshra.s32 s14, $0x2;
	s14 =	sadd.s32 $0x40, s14;
	[tilespmem:v2+s2+$0x0] =	vst.idx.add.f32.msk $0xffff, v1  }
0x2e: {  	v2 =	vld [tilespmem:s15+$0xC380];
	_ =	sdelay $0x7  }
0x2f: {  	s14 =	simm.s32 $0x0;
	[tilespmem:v2+s2+$0x0] =	vst.idx.add.f32.msk $0xffff, v1  }
0x30: {  	[tilespmem:s9], [sflag:$0x1] =	stream.linear.gather [hbm4b:s6+s14], $0x1000, $0x38;
	[tilespmem:$0xD380] =	vst v63  }
0x31: {  	_ =	swait.ge [sflag:s10], $0x1000  }
0x32: {  	[sflag:s10] =	ssyncset.done $0x0  }
0x33: {  	s15 =	simm.s32 $0x0;
	s14 =	simm.s32 $0x40;
	[sflag:s10] =	ssyncadd.s32 $0xFFFFF000  }
.LBB2_10:
0x34: {  	p0 =	sne.s32 s14, $0x3FC0;
	v2 =	vld [tilespmem:s15+$0xC380];
	_ =	sdelay $0x3  }
.Ltmp4:
0x35: {  	(pc) =	sbr.rel @p0 .LBB2_10-.Ltmp4, $2  }
0x36: {  	_ =	sdelay $0x2  }
0x37: {  	s15 =	sshra.s32 s14, $0x2;
	s14 =	sadd.s32 $0x40, s14;
	[tilespmem:v2+s2+$0x0] =	vst.idx.add.f32.msk $0xffff, v1  }
0x38: {  	v2 =	vld [tilespmem:s15+$0xC380];
	_ =	sdelay $0x5  }
0x39: {  	s13 =	sadd.s32 $0x1, s13  }
0x3a: {  	p0 =	sne.s32 s13, s8  }
.Ltmp5:
0x3b: {  	[tilespmem:v2+s2+$0x0] =	vst.idx.add.f32.msk $0xffff, v1;
	(pc) =	sbr.rel @p0 .LBB2_1-.Ltmp5, $4  }
0x3c: {  	[hbm4b:s7+s11] =	stream.strided.scatter [tilespmem:s2], [sflag:$0x1], $0xC380, s12, s11, $0x38;
	[tilespmem:$0xD380] =	vst v63  }
0x3d: {  	_ =	swait.ge [sflag:s10], $0xC380  }
0x3e: {  	[sflag:s10] =	ssyncset.done $0x0  }
0x3f: {  	[sflag:s10] =	ssyncadd.s32 $0xFFFF3C80  }
0x40: {  	_ =	sfence.sel $0x180000  }
0x41: {  	[bflag:$0x0] =	sbarrier.arrive $0xFFFF  }
0x42: {  	p0 =	sne.s32 s1, $0x0;
	_ =	strace $0x90000047  }
0x43: {  	s0 =	sadd.s32 @!p0 $0x100000, s0;
	[bflag:$0x2] =	sbarrier.arrive $0xFFFF  }
0x44: {  	[sflag:s0] =	ssyncadd.tile.s32 @!p0 $0x1;
	_ =	shalt  }
.Lfunc_end2:
_tile_overlayer_lowered:
.L_overlay_start_2:
0x45: {  	(tag) =	ssettag $0x2  }
0x46: {  	s0 =	rddreg [dreg:$0x0];
	s2 =	stileid.u32  }
0x47: {  	s1 =	rddreg [dreg:$0x1];
	p0 =	sne.s32 s2, $0x0  }
0x48: {  	s3 =	rddreg [dreg:$0x2];
	[bflag:$0x3] =	sbarrier.arrive $0xFFFF;
	s2 =	simm.s32 @!p0 $0x1C01  }
0x49: {  	[timem:s3], [sflag:s2] =	dma.local @!p0 [hbm:s0], s1  }
0x4a: {  	s0 =	simm.s32 @!p0 $0x1  }
0x4b: {  	_ =	swait.ge @!p0 [sflag:s0], s1  }
0x4c: {  	s1 =	ssub.s32 @!p0 $0x0, s1;
	[sflag:s0] =	ssyncset.done @!p0 $0x0  }
0x4d: {  	[sflag:s0] =	ssyncadd.s32 @!p0 s1  }
0x4e: {  	[bflag:$0x3] =	sbarrier.arrive $0xFFFF  }
0x4f: {  	_ =	shalt  }

</sc_bundles>
